<compile_context>
chip_gen: v7x
topology: tpu7x:2x2x1
jax: 0.10.2.dev20260603
libtpu: 0.0.44.dev20260713+nightly
codegen_flags: <defaults>
</compile_context>

<pallas_src>
import functools

import jax
import jax.numpy as jnp
from jax import lax
from jax.experimental import pallas as pl
from jax.experimental.pallas import tpu as pltpu
from jax.experimental.pallas import tpu_sc as plsc

_N = 5000
_BLK = 1280
_NB = 4
_NP = _NB * _BLK
_THR = 0.5

_NC = 2
_NS = 16
_NW = _NC * _NS
_CHUNK = _NP // _NW
_RCOLS = 80
_ROWS = _CHUNK * 5 // _RCOLS


def _nms_body(xr, yr, Xr, Yr, xc, yc, Xc, Yc, keep_ref):
    q_lt_p = (lax.broadcasted_iota(jnp.int32, (_BLK, _BLK), 0)
              < lax.broadcasted_iota(jnp.int32, (_BLK, _BLK), 1))

    def iou_mat(off, size, rows):
        rx1, ry1, rx2, ry2, r_area = rows
        cx1 = xc[pl.ds(off, size), :]
        cy1 = yc[pl.ds(off, size), :]
        cx2 = Xc[pl.ds(off, size), :]
        cy2 = Yc[pl.ds(off, size), :]
        c_area = (cx2 - cx1) * (cy2 - cy1)
        xx1 = jnp.maximum(cx1, rx1)
        yy1 = jnp.maximum(cy1, ry1)
        xx2 = jnp.minimum(cx2, rx2)
        yy2 = jnp.minimum(cy2, ry2)
        w = jnp.maximum(xx2 - xx1, 0.0)
        h = jnp.maximum(yy2 - yy1, 0.0)
        inter = w * h
        return inter / (c_area + r_area - inter + 1e-9)

    def row_slices(b, lo, width):
        rx1 = xr[pl.ds(b, 1), lo:lo + width]
        ry1 = yr[pl.ds(b, 1), lo:lo + width]
        rx2 = Xr[pl.ds(b, 1), lo:lo + width]
        ry2 = Yr[pl.ds(b, 1), lo:lo + width]
        return rx1, ry1, rx2, ry2, (rx2 - rx1) * (ry2 - ry1)

    def matvec(v, m):
        return lax.dot_general(v, m, (((1,), (0,)), ((), ())),
                               preferred_element_type=jnp.float32)

    def block_step(b, carry):
        rows_full = row_slices(b, 0, _BLK)

        def cross(j, alive):
            adj = (iou_mat(j * _BLK, _BLK, rows_full) > _THR)
            kprev = keep_ref[pl.ds(j, 1), :]
            supp = matvec(kprev, adj.astype(jnp.float32))
            return jnp.where(supp > 0.0, 0.0, alive)

        base = lax.fori_loop(0, b, cross, jnp.ones((1, _BLK), jnp.float32))

        adj_self = jnp.where(
            (iou_mat(b * _BLK, _BLK, rows_full) > _THR) & q_lt_p, 1.0, 0.0)

        def fix_body(c):
            a, _ = c
            new = jnp.where(matvec(a, adj_self) > 0.0, 0.0, base)
            return new, jnp.any(new != a)

        alive, _ = lax.while_loop(lambda c: c[1], fix_body, (base, True))
        keep_ref[pl.ds(b, 1), :] = alive
        return carry

    lax.fori_loop(0, _NB, block_step, 0)


def _nms_sorted_keep(bp):
    x, y, X, Y = bp[:, 0], bp[:, 1], bp[:, 2], bp[:, 3]
    args = (x.reshape(_NB, _BLK), y.reshape(_NB, _BLK),
            X.reshape(_NB, _BLK), Y.reshape(_NB, _BLK),
            x.reshape(_NP, 1), y.reshape(_NP, 1),
            X.reshape(_NP, 1), Y.reshape(_NP, 1))
    keep = pl.pallas_call(
        _nms_body,
        out_shape=jax.ShapeDtypeStruct((_NB, _BLK), jnp.float32),
    )(*args)
    return keep.reshape(_NP)


def _sc_mask_body(keep, ordp, out, k_v, o_v, sem, sem2):
    wid = lax.axis_index("s") * _NC + lax.axis_index("c")
    base = wid * _CHUNK
    cp_o = pltpu.async_copy(ordp.at[pl.ds(base, _CHUNK)], o_v, sem2)
    cp_k = pltpu.async_copy(keep.at[pl.ds(base, _CHUNK)], k_v, sem)
    cp_o.wait()
    cp_k.wait()
    pltpu.async_copy(k_v, out.at[o_v], sem).wait()


_SC_MASK_CACHE = []


def _sc_mask(keep, ordp):
    if not _SC_MASK_CACHE:
        _SC_MASK_CACHE.append(functools.partial(
            pl.kernel,
            out_type=jax.ShapeDtypeStruct((_NP,), jnp.float32),
            mesh=plsc.VectorSubcoreMesh(core_axis_name="c",
                                        subcore_axis_name="s"),
            scratch_types=[
                pltpu.VMEM((_CHUNK,), jnp.float32),
                pltpu.VMEM((_CHUNK,), jnp.int32),
                pltpu.SemaphoreType.DMA,
                pltpu.SemaphoreType.DMA,
            ],
        )(_sc_mask_body))
    return _SC_MASK_CACHE[0](keep, ordp)


def kernel(boxes, scores):
    order = jnp.argsort(-scores)
    bs = boxes[order]
    bp = jnp.pad(bs, ((0, _NP - _N), (0, 0)))
    keep_sorted = _nms_sorted_keep(bp)
    ordp = jnp.concatenate([order, jnp.arange(_N, _NP)]).astype(jnp.int32)
    mask = _sc_mask(keep_sorted, ordp)[:_N]
    out = jnp.concatenate([boxes * mask[:, None], (scores * mask)[:, None]],
                          axis=1)
    return out

# --- scband reference (transcript-rebuilt; emitter-appended) ---
"""Pipeline reference for scband-model-with-nmskdlist-loss-80204219285930 (READ-ONLY COPY).

The authoritative reference and input builder live on the scoring server;
editing this copy changes nothing except your own understanding.
"""

import jax, jax.numpy as jnp
import numpy as np
from functools import partial

N = 5000
IOU_THRESHOLD = 0.5


def setup_inputs(seed: int = 0) -> dict:
    key = jax.random.key(seed)
    k1, k2, k3 = jax.random.split(key, 3)
    # corners: x1y1 uniform in [0, 900), width/height in [1, 101) -> valid xyxy boxes
    xy1 = jax.random.uniform(k1, (N, 2), dtype=jnp.float32) * 900.0
    wh = jax.random.uniform(k2, (N, 2), dtype=jnp.float32) * 100.0 + 1.0
    boxes = jnp.concatenate([xy1, xy1 + wh], axis=1)
    scores = jax.random.uniform(k3, (N,), dtype=jnp.float32)
    return {"boxes": boxes, "scores": scores}


def _greedy_nms_mask(boxes, scores, iou_threshold):
    # Faithful greedy NMS (same semantics as torchvision.ops.nms):
    # process boxes in descending score order; a kept box suppresses any
    # lower-scored box whose IoU with it exceeds iou_threshold.
    n = boxes.shape[0]
    order = jnp.argsort(-scores)
    b = boxes[order]
    x1, y1, x2, y2 = b[:, 0], b[:, 1], b[:, 2], b[:, 3]
    areas = (x2 - x1) * (y2 - y1)
    idxs = jnp.arange(n)

    def body(i, keep):
        xx1 = jnp.maximum(x1[i], x1)
        yy1 = jnp.maximum(y1[i], y1)
        xx2 = jnp.minimum(x2[i], x2)
        yy2 = jnp.minimum(y2[i], y2)
        w = jnp.clip(xx2 - xx1, 0.0)
        h = jnp.clip(yy2 - yy1, 0.0)
        inter = w * h
        iou = inter / (areas[i] + areas - inter + 1e-9)
        suppress = (iou > iou_threshold) & (idxs > i) & keep[i]
        return keep & (~suppress)

    keep_sorted = jax.lax.fori_loop(0, n, body, jnp.ones((n,), dtype=bool))
    # scatter back to original box order
    mask = jnp.zeros((n,), dtype=bool).at[order].set(keep_sorted)
    return mask


def reference(boxes, scores):
    # Mirrors the per-image NMS step of ModelWithNMSKDListLoss.forward:
    #   idx = nms(boxes, scores, iou_threshold=0.5); labels = labels[idx]
    # Expressed with a fixed-shape keep mask for jit-compatibility:
    # suppressed entries are zeroed instead of removed.
    mask = _greedy_nms_mask(boxes, scores, IOU_THRESHOLD)
    kept_boxes = boxes * mask[:, None].astype(boxes.dtype)
    kept_scores = scores * mask.astype(scores.dtype)
    out = jnp.concatenate([kept_boxes, kept_scores[:, None]], axis=1)
    return out

if __name__ == "__main__":
    import jax
    _d = setup_inputs()
    print(jax.jit(kernel)(*tuple(_d.values())))

</pallas_src>

<mosaic_0001>
#map = affine_map<(d0, d1) -> (0)>
module attributes {stable_mosaic.version = 14 : i64} {
  func.func @_sc_mask_body(%arg0: i32, %arg1: i32, %arg2: memref<5120xf32, #tpu.memory_space<hbm>>, %arg3: memref<5120xi32, #tpu.memory_space<hbm>>, %arg4: memref<5120xf32, #tpu.memory_space<hbm>>, %arg5: memref<160xf32, #tpu.memory_space<vmem>>, %arg6: memref<160xi32, #tpu.memory_space<vmem>>, %arg7: memref<!tpu.dma_semaphore, #tpu.memory_space<semaphore_mem>>, %arg8: memref<!tpu.dma_semaphore, #tpu.memory_space<semaphore_mem>>) attributes {dimension_semantics = [#tpu.dimension_semantics<core_parallel>, #tpu.dimension_semantics<subcore_parallel>], iteration_bounds = array<i64: 2, 16>, scalar_prefetch = 0 : i64, scratch_operands = 4 : i64, tpu.core_type = #tpu.core_type<sc_vector_subcore>, window_params = [{transform_indices = #map}, {transform_indices = #map}, {transform_indices = #map}]} {
    %mul3A = arith.constant 2 : i32
    %mul3A_0 = arith.muli %arg1, %mul3A : i32
    %add3A = arith.addi %mul3A_0, %arg0 : i32
    %mul3A_1 = arith.constant 160 : i32
    %mul3A_2 = arith.muli %add3A, %mul3A_1 : i32
    %dma_start3A = tpu.memref_slice %arg3[%mul3A_2] : memref<5120xi32, #tpu.memory_space<hbm>> -> memref<160xi32, #tpu.memory_space<hbm>>
    %dma_start3A_3 = tpu.memref_slice %arg3[%mul3A_2] : memref<5120xi32, #tpu.memory_space<hbm>> -> memref<160xi32, #tpu.memory_space<hbm>>
    tpu.enqueue_dma source(%dma_start3A_3 : memref<160xi32, #tpu.memory_space<hbm>>) target(%arg6 : memref<160xi32, #tpu.memory_space<vmem>>) target_semaphore(%arg8 : memref<!tpu.dma_semaphore, #tpu.memory_space<semaphore_mem>>)
    %dma_start3A_4 = tpu.memref_slice %arg2[%mul3A_2] : memref<5120xf32, #tpu.memory_space<hbm>> -> memref<160xf32, #tpu.memory_space<hbm>>
    %dma_start3A_5 = tpu.memref_slice %arg2[%mul3A_2] : memref<5120xf32, #tpu.memory_space<hbm>> -> memref<160xf32, #tpu.memory_space<hbm>>
    tpu.enqueue_dma source(%dma_start3A_5 : memref<160xf32, #tpu.memory_space<hbm>>) target(%arg5 : memref<160xf32, #tpu.memory_space<vmem>>) target_semaphore(%arg7 : memref<!tpu.dma_semaphore, #tpu.memory_space<semaphore_mem>>)
    %dma_wait3A = tpu.memref_slice %arg3[%mul3A_2] : memref<5120xi32, #tpu.memory_space<hbm>> -> memref<160xi32, #tpu.memory_space<hbm>>
    %dma_wait3A_6 = tpu.memref_slice %arg3[%mul3A_2] : memref<5120xi32, #tpu.memory_space<hbm>> -> memref<160xi32, #tpu.memory_space<hbm>>
    tpu.wait_dma2 semaphore(%arg8 : memref<!tpu.dma_semaphore, #tpu.memory_space<semaphore_mem>>) src(%dma_wait3A_6 : memref<160xi32, #tpu.memory_space<hbm>>) dst(%arg6 : memref<160xi32, #tpu.memory_space<vmem>>)
    %dma_wait3A_7 = tpu.memref_slice %arg2[%mul3A_2] : memref<5120xf32, #tpu.memory_space<hbm>> -> memref<160xf32, #tpu.memory_space<hbm>>
    %dma_wait3A_8 = tpu.memref_slice %arg2[%mul3A_2] : memref<5120xf32, #tpu.memory_space<hbm>> -> memref<160xf32, #tpu.memory_space<hbm>>
    tpu.wait_dma2 semaphore(%arg7 : memref<!tpu.dma_semaphore, #tpu.memory_space<semaphore_mem>>) src(%dma_wait3A_8 : memref<160xf32, #tpu.memory_space<hbm>>) dst(%arg5 : memref<160xf32, #tpu.memory_space<vmem>>)
    %dma_start3A_9 = arith.constant 0 : i32
    %dma_start3A_10 = tpu.memref_slice %arg4[%dma_start3A_9] : memref<5120xf32, #tpu.memory_space<hbm>> -> memref<5120xf32, #tpu.memory_space<hbm>>
    tpu.enqueue_indirect_dma source(%arg5 : memref<160xf32, #tpu.memory_space<vmem>>) target(%dma_start3A_10 : memref<5120xf32, #tpu.memory_space<hbm>>) offsets(%arg6 : memref<160xi32, #tpu.memory_space<vmem>>) semaphore(%arg7 : memref<!tpu.dma_semaphore, #tpu.memory_space<semaphore_mem>>)
    %dma_wait3A_11 = arith.constant 0 : i32
    %dma_wait3A_12 = tpu.memref_slice %arg4[%dma_wait3A_11] : memref<5120xf32, #tpu.memory_space<hbm>> -> memref<5120xf32, #tpu.memory_space<hbm>>
    tpu.wait_indirect_dma semaphore(%arg7 : memref<!tpu.dma_semaphore, #tpu.memory_space<semaphore_mem>>) src(%arg5 : memref<160xf32, #tpu.memory_space<vmem>>) dst(%dma_wait3A_12 : memref<5120xf32, #tpu.memory_space<hbm>>)
    return
  }
}

module attributes {stable_mosaic.version = 14 : i64} {
  func.func @_nms_body(%arg0: memref<4x1280xf32, #tpu.memory_space<vmem>>, %arg1: memref<4x1280xf32, #tpu.memory_space<vmem>>, %arg2: memref<4x1280xf32, #tpu.memory_space<vmem>>, %arg3: memref<4x1280xf32, #tpu.memory_space<vmem>>, %arg4: memref<5120x1xf32, #tpu.memory_space<vmem>>, %arg5: memref<5120x1xf32, #tpu.memory_space<vmem>>, %arg6: memref<5120x1xf32, #tpu.memory_space<vmem>>, %arg7: memref<5120x1xf32, #tpu.memory_space<vmem>>, %arg8: memref<4x1280xf32, #tpu.memory_space<vmem>>) attributes {dimension_semantics = [], scalar_prefetch = 0 : i64, scratch_operands = 0 : i64, tpu.core_type = #tpu.core_type<tc>} {
    %iota3A = tpu.iota {dimensions = array<i32: 0>} : vector<1280x1280xi32>
    %iota3A_0 = tpu.iota {dimensions = array<i32: 1>} : vector<1280x1280xi32>
    %lt3A = arith.cmpi slt, %iota3A, %iota3A_0 : vector<1280x1280xi32>
    %scan3A = arith.constant 0 : i32
    %scan3A_1 = arith.constant 4 : i32
    %scan3A_2 = arith.addi %scan3A, %scan3A_1 : i32
    %scan3A_3 = arith.constant 1 : i32
    scf.for %scan3A_5 = %scan3A to %scan3A_2 step %scan3A_3  : i32 {
      %get3A = arith.index_cast %scan3A_5 : i32 to index
      %get3A_6 = arith.constant 0 : index
      %get3A_7 = vector.load %arg0[%get3A, %get3A_6] : memref<4x1280xf32, #tpu.memory_space<vmem>>, vector<1x1280xf32>
      %get3A_8 = arith.index_cast %scan3A_5 : i32 to index
      %get3A_9 = arith.constant 0 : index
      %get3A_10 = vector.load %arg1[%get3A_8, %get3A_9] : memref<4x1280xf32, #tpu.memory_space<vmem>>, vector<1x1280xf32>
      %get3A_11 = arith.index_cast %scan3A_5 : i32 to index
      %get3A_12 = arith.constant 0 : index
      %get3A_13 = vector.load %arg2[%get3A_11, %get3A_12] : memref<4x1280xf32, #tpu.memory_space<vmem>>, vector<1x1280xf32>
      %get3A_14 = arith.index_cast %scan3A_5 : i32 to index
      %get3A_15 = arith.constant 0 : index
      %get3A_16 = vector.load %arg3[%get3A_14, %get3A_15] : memref<4x1280xf32, #tpu.memory_space<vmem>>, vector<1x1280xf32>
      %sub3A = arith.subf %get3A_13, %get3A_7 : vector<1x1280xf32>
      %sub3A_17 = arith.subf %get3A_16, %get3A_10 : vector<1x1280xf32>
      %mul3A = arith.mulf %sub3A, %sub3A_17 : vector<1x1280xf32>
      %broadcast_in_dim3A = arith.constant 1.000000e+00 : f32
      %broadcast_in_dim3A_18 = vector.broadcast %broadcast_in_dim3A : f32 to vector<1x1280xf32>
      %while3A = arith.constant 0 : i32
      %while3A_19 = arith.subi %scan3A_5, %while3A : i32
      %while3A_20 = arith.addi %while3A, %while3A_19 : i32
      %while3A_21 = arith.constant 1 : i32
      %while3A_22 = arith.divsi %while3A_19, %while3A_21 : i32
      %while3A_23 = arith.muli %while3A_22, %while3A_21 : i32
      %while3A_24 = arith.addi %while3A, %while3A_23 : i32
      %while3A_25 = arith.constant 1 : i32
      %while3A_26 = scf.for %while3A_80 = %while3A to %while3A_24 step %while3A_25 iter_args(%while3A_81 = %broadcast_in_dim3A_18) -> (vector<1x1280xf32>)  : i32 {
        %mul3A_82 = arith.constant 1280 : i32
        %mul3A_83 = arith.muli %while3A_80, %mul3A_82 : i32
        %get3A_84 = arith.index_cast %mul3A_83 : i32 to index
        %get3A_85 = arith.constant 0 : index
        %get3A_86 = vector.load %arg4[%get3A_84, %get3A_85] : memref<5120x1xf32, #tpu.memory_space<vmem>>, vector<1280x1xf32>
        %get3A_87 = arith.index_cast %mul3A_83 : i32 to index
        %get3A_88 = arith.constant 0 : index
        %get3A_89 = vector.load %arg5[%get3A_87, %get3A_88] : memref<5120x1xf32, #tpu.memory_space<vmem>>, vector<1280x1xf32>
        %get3A_90 = arith.index_cast %mul3A_83 : i32 to index
        %get3A_91 = arith.constant 0 : index
        %get3A_92 = vector.load %arg6[%get3A_90, %get3A_91] : memref<5120x1xf32, #tpu.memory_space<vmem>>, vector<1280x1xf32>
        %get3A_93 = arith.index_cast %mul3A_83 : i32 to index
        %get3A_94 = arith.constant 0 : index
        %get3A_95 = vector.load %arg7[%get3A_93, %get3A_94] : memref<5120x1xf32, #tpu.memory_space<vmem>>, vector<1280x1xf32>
        %sub3A_96 = arith.subf %get3A_92, %get3A_86 : vector<1280x1xf32>
        %sub3A_97 = arith.subf %get3A_95, %get3A_89 : vector<1280x1xf32>
        %mul3A_98 = arith.mulf %sub3A_96, %sub3A_97 : vector<1280x1xf32>
        %max3A_99 = vector.broadcast %get3A_86 : vector<1280x1xf32> to vector<1280x1280xf32>
        %max3A_100 = vector.broadcast %get3A_7 : vector<1x1280xf32> to vector<1280x1280xf32>
        %max3A_101 = arith.maximumf %max3A_99, %max3A_100 : vector<1280x1280xf32>
        %max3A_102 = vector.broadcast %get3A_89 : vector<1280x1xf32> to vector<1280x1280xf32>
        %max3A_103 = vector.broadcast %get3A_10 : vector<1x1280xf32> to vector<1280x1280xf32>
        %max3A_104 = arith.maximumf %max3A_102, %max3A_103 : vector<1280x1280xf32>
        %min3A_105 = vector.broadcast %get3A_92 : vector<1280x1xf32> to vector<1280x1280xf32>
        %min3A_106 = vector.broadcast %get3A_13 : vector<1x1280xf32> to vector<1280x1280xf32>
        %min3A_107 = arith.minimumf %min3A_105, %min3A_106 : vector<1280x1280xf32>
        %min3A_108 = vector.broadcast %get3A_95 : vector<1280x1xf32> to vector<1280x1280xf32>
        %min3A_109 = vector.broadcast %get3A_16 : vector<1x1280xf32> to vector<1280x1280xf32>
        %min3A_110 = arith.minimumf %min3A_108, %min3A_109 : vector<1280x1280xf32>
        %sub3A_111 = arith.subf %min3A_107, %max3A_101 : vector<1280x1280xf32>
        %max3A_112 = arith.constant 0.000000e+00 : f32
        %max3A_113 = vector.broadcast %max3A_112 : f32 to vector<1280x1280xf32>
        %max3A_114 = arith.maximumf %sub3A_111, %max3A_113 : vector<1280x1280xf32>
        %sub3A_115 = arith.subf %min3A_110, %max3A_104 : vector<1280x1280xf32>
        %max3A_116 = arith.constant 0.000000e+00 : f32
        %max3A_117 = vector.broadcast %max3A_116 : f32 to vector<1280x1280xf32>
        %max3A_118 = arith.maximumf %sub3A_115, %max3A_117 : vector<1280x1280xf32>
        %mul3A_119 = arith.mulf %max3A_114, %max3A_118 : vector<1280x1280xf32>
        %add3A_120 = vector.broadcast %mul3A_98 : vector<1280x1xf32> to vector<1280x1280xf32>
        %add3A_121 = vector.broadcast %mul3A : vector<1x1280xf32> to vector<1280x1280xf32>
        %add3A_122 = arith.addf %add3A_120, %add3A_121 : vector<1280x1280xf32>
        %sub3A_123 = arith.subf %add3A_122, %mul3A_119 : vector<1280x1280xf32>
        %add3A_124 = arith.constant 9.99999971E-10 : f32
        %add3A_125 = vector.broadcast %add3A_124 : f32 to vector<1280x1280xf32>
        %add3A_126 = arith.addf %sub3A_123, %add3A_125 : vector<1280x1280xf32>
        %div3A_127 = arith.divf %mul3A_119, %add3A_126 : vector<1280x1280xf32>
        %gt3A_128 = arith.constant 5.000000e-01 : f32
        %gt3A_129 = vector.broadcast %gt3A_128 : f32 to vector<1280x1280xf32>
        %gt3A_130 = arith.cmpf ogt, %div3A_127, %gt3A_129 : vector<1280x1280xf32>
        %get3A_131 = arith.index_cast %while3A_80 : i32 to index
        %get3A_132 = arith.constant 0 : index
        %get3A_133 = vector.load %arg8[%get3A_131, %get3A_132] : memref<4x1280xf32, #tpu.memory_space<vmem>>, vector<1x1280xf32>
        %convert_element_type3A = arith.extui %gt3A_130 : vector<1280x1280xi1> to vector<1280x1280xi32>
        %convert_element_type3A_134 = arith.sitofp %convert_element_type3A : vector<1280x1280xi32> to vector<1280x1280xf32>
        %dot_general3A = arith.constant dense<0.000000e+00> : vector<1x1280xf32>
        %dot_general3A_135 = tpu.matmul %get3A_133, %convert_element_type3A_134, %dot_general3A {dimension_numbers = #tpu.dot_dimension_numbers<[1], [0], [0], [1], [0, 0, 1, 1], [], []>, transpose_lhs_hint = false} : vector<1x1280xf32>, vector<1280x1280xf32>, vector<1x1280xf32> -> vector<1x1280xf32>
        %gt3A_136 = arith.constant 0.000000e+00 : f32
        %gt3A_137 = vector.broadcast %gt3A_136 : f32 to vector<1x1280xf32>
        %gt3A_138 = arith.cmpf ogt, %dot_general3A_135, %gt3A_137 : vector<1x1280xf32>
        %jit3A_139 = arith.constant 0.000000e+00 : f32
        %broadcast_in_dim3A_140 = vector.broadcast %jit3A_139 : f32 to vector<1x1280xf32>
        %select_n3A_141 = arith.select %gt3A_138, %broadcast_in_dim3A_140, %while3A_81 : vector<1x1280xi1>, vector<1x1280xf32>
        scf.yield %select_n3A_141 : vector<1x1280xf32>
      }
      %while3A_27 = arith.constant 1 : i32
      %while3A_28 = scf.for %while3A_80 = %while3A_24 to %while3A_20 step %while3A_27 iter_args(%while3A_81 = %while3A_26) -> (vector<1x1280xf32>)  : i32 {
        %mul3A_82 = arith.constant 1280 : i32
        %mul3A_83 = arith.muli %while3A_80, %mul3A_82 : i32
        %get3A_84 = arith.index_cast %mul3A_83 : i32 to index
        %get3A_85 = arith.constant 0 : index
        %get3A_86 = vector.load %arg4[%get3A_84, %get3A_85] : memref<5120x1xf32, #tpu.memory_space<vmem>>, vector<1280x1xf32>
        %get3A_87 = arith.index_cast %mul3A_83 : i32 to index
        %get3A_88 = arith.constant 0 : index
        %get3A_89 = vector.load %arg5[%get3A_87, %get3A_88] : memref<5120x1xf32, #tpu.memory_space<vmem>>, vector<1280x1xf32>
        %get3A_90 = arith.index_cast %mul3A_83 : i32 to index
        %get3A_91 = arith.constant 0 : index
        %get3A_92 = vector.load %arg6[%get3A_90, %get3A_91] : memref<5120x1xf32, #tpu.memory_space<vmem>>, vector<1280x1xf32>
        %get3A_93 = arith.index_cast %mul3A_83 : i32 to index
        %get3A_94 = arith.constant 0 : index
        %get3A_95 = vector.load %arg7[%get3A_93, %get3A_94] : memref<5120x1xf32, #tpu.memory_space<vmem>>, vector<1280x1xf32>
        %sub3A_96 = arith.subf %get3A_92, %get3A_86 : vector<1280x1xf32>
        %sub3A_97 = arith.subf %get3A_95, %get3A_89 : vector<1280x1xf32>
        %mul3A_98 = arith.mulf %sub3A_96, %sub3A_97 : vector<1280x1xf32>
        %max3A_99 = vector.broadcast %get3A_86 : vector<1280x1xf32> to vector<1280x1280xf32>
        %max3A_100 = vector.broadcast %get3A_7 : vector<1x1280xf32> to vector<1280x1280xf32>
        %max3A_101 = arith.maximumf %max3A_99, %max3A_100 : vector<1280x1280xf32>
        %max3A_102 = vector.broadcast %get3A_89 : vector<1280x1xf32> to vector<1280x1280xf32>
        %max3A_103 = vector.broadcast %get3A_10 : vector<1x1280xf32> to vector<1280x1280xf32>
        %max3A_104 = arith.maximumf %max3A_102, %max3A_103 : vector<1280x1280xf32>
        %min3A_105 = vector.broadcast %get3A_92 : vector<1280x1xf32> to vector<1280x1280xf32>
        %min3A_106 = vector.broadcast %get3A_13 : vector<1x1280xf32> to vector<1280x1280xf32>
        %min3A_107 = arith.minimumf %min3A_105, %min3A_106 : vector<1280x1280xf32>
        %min3A_108 = vector.broadcast %get3A_95 : vector<1280x1xf32> to vector<1280x1280xf32>
        %min3A_109 = vector.broadcast %get3A_16 : vector<1x1280xf32> to vector<1280x1280xf32>
        %min3A_110 = arith.minimumf %min3A_108, %min3A_109 : vector<1280x1280xf32>
        %sub3A_111 = arith.subf %min3A_107, %max3A_101 : vector<1280x1280xf32>
        %max3A_112 = arith.constant 0.000000e+00 : f32
        %max3A_113 = vector.broadcast %max3A_112 : f32 to vector<1280x1280xf32>
        %max3A_114 = arith.maximumf %sub3A_111, %max3A_113 : vector<1280x1280xf32>
        %sub3A_115 = arith.subf %min3A_110, %max3A_104 : vector<1280x1280xf32>
        %max3A_116 = arith.constant 0.000000e+00 : f32
        %max3A_117 = vector.broadcast %max3A_116 : f32 to vector<1280x1280xf32>
        %max3A_118 = arith.maximumf %sub3A_115, %max3A_117 : vector<1280x1280xf32>
        %mul3A_119 = arith.mulf %max3A_114, %max3A_118 : vector<1280x1280xf32>
        %add3A_120 = vector.broadcast %mul3A_98 : vector<1280x1xf32> to vector<1280x1280xf32>
        %add3A_121 = vector.broadcast %mul3A : vector<1x1280xf32> to vector<1280x1280xf32>
        %add3A_122 = arith.addf %add3A_120, %add3A_121 : vector<1280x1280xf32>
        %sub3A_123 = arith.subf %add3A_122, %mul3A_119 : vector<1280x1280xf32>
        %add3A_124 = arith.constant 9.99999971E-10 : f32
        %add3A_125 = vector.broadcast %add3A_124 : f32 to vector<1280x1280xf32>
        %add3A_126 = arith.addf %sub3A_123, %add3A_125 : vector<1280x1280xf32>
        %div3A_127 = arith.divf %mul3A_119, %add3A_126 : vector<1280x1280xf32>
        %gt3A_128 = arith.constant 5.000000e-01 : f32
        %gt3A_129 = vector.broadcast %gt3A_128 : f32 to vector<1280x1280xf32>
        %gt3A_130 = arith.cmpf ogt, %div3A_127, %gt3A_129 : vector<1280x1280xf32>
        %get3A_131 = arith.index_cast %while3A_80 : i32 to index
        %get3A_132 = arith.constant 0 : index
        %get3A_133 = vector.load %arg8[%get3A_131, %get3A_132] : memref<4x1280xf32, #tpu.memory_space<vmem>>, vector<1x1280xf32>
        %convert_element_type3A = arith.extui %gt3A_130 : vector<1280x1280xi1> to vector<1280x1280xi32>
        %convert_element_type3A_134 = arith.sitofp %convert_element_type3A : vector<1280x1280xi32> to vector<1280x1280xf32>
        %dot_general3A = arith.constant dense<0.000000e+00> : vector<1x1280xf32>
        %dot_general3A_135 = tpu.matmul %get3A_133, %convert_element_type3A_134, %dot_general3A {dimension_numbers = #tpu.dot_dimension_numbers<[1], [0], [0], [1], [0, 0, 1, 1], [], []>, transpose_lhs_hint = false} : vector<1x1280xf32>, vector<1280x1280xf32>, vector<1x1280xf32> -> vector<1x1280xf32>
        %gt3A_136 = arith.constant 0.000000e+00 : f32
        %gt3A_137 = vector.broadcast %gt3A_136 : f32 to vector<1x1280xf32>
        %gt3A_138 = arith.cmpf ogt, %dot_general3A_135, %gt3A_137 : vector<1x1280xf32>
        %jit3A_139 = arith.constant 0.000000e+00 : f32
        %broadcast_in_dim3A_140 = vector.broadcast %jit3A_139 : f32 to vector<1x1280xf32>
        %select_n3A_141 = arith.select %gt3A_138, %broadcast_in_dim3A_140, %while3A_81 : vector<1x1280xi1>, vector<1x1280xf32>
        scf.yield %select_n3A_141 : vector<1x1280xf32>
      }
      %mul3A_29 = arith.constant 1280 : i32
      %mul3A_30 = arith.muli %scan3A_5, %mul3A_29 : i32
      %get3A_31 = arith.index_cast %mul3A_30 : i32 to index
      %get3A_32 = arith.constant 0 : index
      %get3A_33 = vector.load %arg4[%get3A_31, %get3A_32] : memref<5120x1xf32, #tpu.memory_space<vmem>>, vector<1280x1xf32>
      %get3A_34 = arith.index_cast %mul3A_30 : i32 to index
      %get3A_35 = arith.constant 0 : index
      %get3A_36 = vector.load %arg5[%get3A_34, %get3A_35] : memref<5120x1xf32, #tpu.memory_space<vmem>>, vector<1280x1xf32>
      %get3A_37 = arith.index_cast %mul3A_30 : i32 to index
      %get3A_38 = arith.constant 0 : index
      %get3A_39 = vector.load %arg6[%get3A_37, %get3A_38] : memref<5120x1xf32, #tpu.memory_space<vmem>>, vector<1280x1xf32>
      %get3A_40 = arith.index_cast %mul3A_30 : i32 to index
      %get3A_41 = arith.constant 0 : index
      %get3A_42 = vector.load %arg7[%get3A_40, %get3A_41] : memref<5120x1xf32, #tpu.memory_space<vmem>>, vector<1280x1xf32>
      %sub3A_43 = arith.subf %get3A_39, %get3A_33 : vector<1280x1xf32>
      %sub3A_44 = arith.subf %get3A_42, %get3A_36 : vector<1280x1xf32>
      %mul3A_45 = arith.mulf %sub3A_43, %sub3A_44 : vector<1280x1xf32>
      %max3A = vector.broadcast %get3A_33 : vector<1280x1xf32> to vector<1280x1280xf32>
      %max3A_46 = vector.broadcast %get3A_7 : vector<1x1280xf32> to vector<1280x1280xf32>
      %max3A_47 = arith.maximumf %max3A, %max3A_46 : vector<1280x1280xf32>
      %max3A_48 = vector.broadcast %get3A_36 : vector<1280x1xf32> to vector<1280x1280xf32>
      %max3A_49 = vector.broadcast %get3A_10 : vector<1x1280xf32> to vector<1280x1280xf32>
      %max3A_50 = arith.maximumf %max3A_48, %max3A_49 : vector<1280x1280xf32>
      %min3A = vector.broadcast %get3A_39 : vector<1280x1xf32> to vector<1280x1280xf32>
      %min3A_51 = vector.broadcast %get3A_13 : vector<1x1280xf32> to vector<1280x1280xf32>
      %min3A_52 = arith.minimumf %min3A, %min3A_51 : vector<1280x1280xf32>
      %min3A_53 = vector.broadcast %get3A_42 : vector<1280x1xf32> to vector<1280x1280xf32>
      %min3A_54 = vector.broadcast %get3A_16 : vector<1x1280xf32> to vector<1280x1280xf32>
      %min3A_55 = arith.minimumf %min3A_53, %min3A_54 : vector<1280x1280xf32>
      %sub3A_56 = arith.subf %min3A_52, %max3A_47 : vector<1280x1280xf32>
      %max3A_57 = arith.constant 0.000000e+00 : f32
      %max3A_58 = vector.broadcast %max3A_57 : f32 to vector<1280x1280xf32>
      %max3A_59 = arith.maximumf %sub3A_56, %max3A_58 : vector<1280x1280xf32>
      %sub3A_60 = arith.subf %min3A_55, %max3A_50 : vector<1280x1280xf32>
      %max3A_61 = arith.constant 0.000000e+00 : f32
      %max3A_62 = vector.broadcast %max3A_61 : f32 to vector<1280x1280xf32>
      %max3A_63 = arith.maximumf %sub3A_60, %max3A_62 : vector<1280x1280xf32>
      %mul3A_64 = arith.mulf %max3A_59, %max3A_63 : vector<1280x1280xf32>
      %add3A = vector.broadcast %mul3A_45 : vector<1280x1xf32> to vector<1280x1280xf32>
      %add3A_65 = vector.broadcast %mul3A : vector<1x1280xf32> to vector<1280x1280xf32>
      %add3A_66 = arith.addf %add3A, %add3A_65 : vector<1280x1280xf32>
      %sub3A_67 = arith.subf %add3A_66, %mul3A_64 : vector<1280x1280xf32>
      %add3A_68 = arith.constant 9.99999971E-10 : f32
      %add3A_69 = vector.broadcast %add3A_68 : f32 to vector<1280x1280xf32>
      %add3A_70 = arith.addf %sub3A_67, %add3A_69 : vector<1280x1280xf32>
      %div3A = arith.divf %mul3A_64, %add3A_70 : vector<1280x1280xf32>
      %gt3A = arith.constant 5.000000e-01 : f32
      %gt3A_71 = vector.broadcast %gt3A : f32 to vector<1280x1280xf32>
      %gt3A_72 = arith.cmpf ogt, %div3A, %gt3A_71 : vector<1280x1280xf32>
      %and3A = arith.andi %gt3A_72, %lt3A : vector<1280x1280xi1>
      %jit3A = arith.constant 1.000000e+00 : f32
      %jit3A_73 = arith.constant 0.000000e+00 : f32
      %broadcast_in_dim3A_74 = vector.broadcast %jit3A : f32 to vector<1280x1280xf32>
      %broadcast_in_dim3A_75 = vector.broadcast %jit3A_73 : f32 to vector<1280x1280xf32>
      %select_n3A = arith.select %and3A, %broadcast_in_dim3A_74, %broadcast_in_dim3A_75 : vector<1280x1280xi1>, vector<1280x1280xf32>
      %while3A_76 = arith.constant true
      %while3A_77:2 = scf.while (%while3A_80 = %while3A_28, %while3A_81 = %while3A_76) : (vector<1x1280xf32>, i1) -> (vector<1x1280xf32>, i1) {
        scf.condition(%while3A_81) %while3A_80, %while3A_81 : vector<1x1280xf32>, i1
      } do {
      ^bb0(%while3A_80: vector<1x1280xf32>, %while3A_81: i1):
        %dot_general3A = arith.constant dense<0.000000e+00> : vector<1x1280xf32>
        %dot_general3A_82 = tpu.matmul %while3A_80, %select_n3A, %dot_general3A {dimension_numbers = #tpu.dot_dimension_numbers<[1], [0], [0], [1], [0, 0, 1, 1], [], []>, transpose_lhs_hint = false} : vector<1x1280xf32>, vector<1280x1280xf32>, vector<1x1280xf32> -> vector<1x1280xf32>
        %gt3A_83 = arith.constant 0.000000e+00 : f32
        %gt3A_84 = vector.broadcast %gt3A_83 : f32 to vector<1x1280xf32>
        %gt3A_85 = arith.cmpf ogt, %dot_general3A_82, %gt3A_84 : vector<1x1280xf32>
        %jit3A_86 = arith.constant 0.000000e+00 : f32
        %broadcast_in_dim3A_87 = vector.broadcast %jit3A_86 : f32 to vector<1x1280xf32>
        %select_n3A_88 = arith.select %gt3A_85, %broadcast_in_dim3A_87, %while3A_28 : vector<1x1280xi1>, vector<1x1280xf32>
        %ne3A = arith.cmpf one, %select_n3A_88, %while3A_80 : vector<1x1280xf32>
        %reduce_or3A = arith.constant 1.000000e+00 : f32
        %reduce_or3A_89 = arith.constant 0.000000e+00 : f32
        %reduce_or3A_90 = vector.broadcast %reduce_or3A : f32 to vector<1x1280xf32>
        %reduce_or3A_91 = vector.broadcast %reduce_or3A_89 : f32 to vector<1x1280xf32>
        %reduce_or3A_92 = arith.select %ne3A, %reduce_or3A_90, %reduce_or3A_91 : vector<1x1280xi1>, vector<1x1280xf32>
        %reduce_or3A_93 = vector.shape_cast %reduce_or3A_92 : vector<1x1280xf32> to vector<1x1x1280xf32>
        %reduce_or3A_94 = arith.constant dense<0xFF800000> : vector<1xf32>
        %reduce_or3A_95 = vector.multi_reduction <maximumf>, %reduce_or3A_93, %reduce_or3A_94 [1, 2] : vector<1x1x1280xf32> to vector<1xf32>
        %reduce_or3A_96 = vector.shape_cast %reduce_or3A_95 : vector<1xf32> to vector<1x1x1xf32>
        %reduce_or3A_97 = vector.extract %reduce_or3A_96[0, 0, 0] : f32 from vector<1x1x1xf32>
        %reduce_or3A_98 = arith.constant 0.000000e+00 : f32
        %reduce_or3A_99 = arith.cmpf ogt, %reduce_or3A_97, %reduce_or3A_98 : f32
        scf.yield %select_n3A_88, %reduce_or3A_99 : vector<1x1280xf32>, i1
      }
      %swap3A = arith.index_cast %scan3A_5 : i32 to index
      %swap3A_78 = arith.constant 0 : index
      %swap3A_79 = vector.load %arg8[%swap3A, %swap3A_78] : memref<4x1280xf32, #tpu.memory_space<vmem>>, vector<1x1280xf32>
      tpu.vector_store %arg8[%swap3A, %swap3A_78], %while3A_77#0 {strides = array<i32>} : memref<4x1280xf32, #tpu.memory_space<vmem>>, vector<1x1280xf32>,
    }
    %scan3A_4 = arith.constant 4 : i32
    return
  }
}

</mosaic_0001>

<sc_bundles>
// kernel: gather_offload_async_start
scs
__scs_entry_jumppad:
0x0: {  	(pc) =	sbr.rel $0x88, $3  }
0x1: {  	(tag) =	ssettag $0x0;
	lr =	simm.s32 $0x1  }
0x2: {  	[smem:$0x3F9F] =	sst lr;
	_ =	strace $0xD0000000  }
0x3: {  	_ = 	snop  }
0x4: {  	_ = 	snop  }
0x5: {  	_ = 	snop  }
0x6: {  	_ = 	snop  }
0x7: {  	_ = 	snop  }
__scs_overlays_trampoline_lowered:
0x8: {  	[smem:$0x3FAE] =	sst s0  }
0x9: {  	[smem:$0x3FAF] =	sst s1  }
0xa: {  	[smem:$0x3FB0] =	sst s2  }
0xb: {  	[smem:$0x3FB1] =	sst s3  }
0xc: {  	[smem:$0x3FB2] =	sst s4  }
0xd: {  	[smem:$0x3FB3] =	sst s5  }
0xe: {  	[smem:$0x3FB4] =	sst s6  }
0xf: {  	[smem:$0x3FB5] =	sst s7  }
0x10: {  	[smem:$0x3FB6] =	sst s8  }
0x11: {  	[smem:$0x3FB7] =	sst s9;
	s0 =	simm.s32 @!p0 $0x0  }
0x12: {  	s1 =	sld [smem:$0x3F9D];
	s0 =	simm.s32 @p0 $0x1  }
0x13: {  	[smem:$0x3FB8] =	sst s0;
	s0 =	simm.s32 @!p1 $0x0  }
0x14: {  	s2 =	sld [smem:$0x3F9C];
	s0 =	simm.s32 @p1 $0x1  }
0x15: {  	[smem:$0x3FB9] =	sst s0;
	s0 =	simm.s32 @!p2 $0x0  }
0x16: {  	s3 =	sld [smem:$0x3FDB];
	s0 =	simm.s32 @p2 $0x1  }
0x17: {  	s4 =	simm.s32 $0x1BF5;
	[smem:$0x3FBB] =	sst s0  }
0x18: {  	s0 =	sld [smem:$0x3F9E];
	_ =	swait.ge [sflag:s4], $0x0  }
0x19: {  	s7 =	sld [smem:$0x3F9F]  }
0x1a: {  	s8 =	sadd.s32 $0xFFFFE003, lr  }
0x1b: {  	s9 =	sadd.s32 $0xFFFFFEF7, lr;
	s5 =	simm.s32 $0xFFFFFFFF;
	p2 =	slt.u32 s8, $0xFFFFF086  }
0x1c: {  	p1 =	slt.u32 s9, $0xF7A;
	s5 =	simm.s32 @!p2 $0x0  }
0x1d: {  	s5 =	simm.s32 @p1 $0x1;
	p0 =	seq.s32 s7, s2  }
0x1e: {  	s7 =	smul.u32 @!p0 $0xF7A, s2;
	p2 =	seq.s32 @!p0 s5, $0x0  }
0x1f: {  	s9 =	smul.u32 $0xF7A, s1;
	s8 =	simm.s32 @!p0 $0x1BF5;
	p2 =	por !p2, p0  }
0x20: {  	[sflag:s8] =	ssyncset.s32 @!p0 $0xFFFFF086;
	s6 =	sadd.s32 @!p0 s3, s7;
	s7 =	simm.s32 @!p0 $0x108  }
0x21: {  	s3 =	sadd.s32 s3, s9;
	s6 =	sadd.s32 @!p0 $0x88, s6;
	s7 =	simm.s32 @p2 $0x1082  }
0x22: {  	[simem:s7], [sflag:s8] =	dma.local @!p0 [hbm:s6], $0xF7A  }
0x23: {  	s9 =	sor.u32 $0xD0000000, s2;
	s6 =	simm.s32 $0x108;
	_ =	swait.ge @!p0 [sflag:s8], $0x0  }
0x24: {  	s3 =	sadd.s32 $0x88, s3;
	s6 =	simm.s32 @!p1 $0x1082;
	[sflag:s4] =	ssyncset.s32 $0xFFFFF086  }
0x25: {  	[simem:s6], [sflag:s4] =	dma.local [hbm:s3], $0xF7A  }
0x26: {  	[smem:$0x3F9F] =	sst s1;
	(tag) =	ssettag s2;
	_ =	strace s9  }
0x27: {  	s1 =	sld [smem:$0x3FAF]  }
0x28: {  	s2 =	sld [smem:$0x3FB0]  }
0x29: {  	s4 =	sld [smem:$0x3FB2]  }
0x2a: {  	p0 =	seq.s32 s5, $0x0;
	s5 =	sld [smem:$0x3FB3]  }
0x2b: {  	s6 =	sld [smem:$0x3FB4]  }
0x2c: {  	s7 =	sld [smem:$0x3FB5]  }
0x2d: {  	s3 =	simm.s32 $0x108;
	s8 =	sld [smem:$0x3FB6]  }
0x2e: {  	s3 =	simm.s32 @!p0 $0x1082;
	s9 =	sld [smem:$0x3FB7]  }
0x2f: {  	lr =	sadd.s32 s0, s3;
	s0 =	sld [smem:$0x3FAE]  }
0x30: {  	s3 =	sld [smem:$0x3FB1]  }
0x31: {  	[smem:$0x3FBA] =	sst s10  }
0x32: {  	s10 =	sld [smem:$0x3FB8];
	_ =	sdelay $0x3  }
0x33: {  	p0 =	seq.s32 s10, $0x1;
	s10 =	sld [smem:$0x3FBA];
	_ =	sdelay $0x3  }
0x34: {  	[smem:$0x3FBA] =	sst s10  }
0x35: {  	s10 =	sld [smem:$0x3FB9];
	_ =	sdelay $0x3  }
0x36: {  	p1 =	seq.s32 s10, $0x1;
	s10 =	sld [smem:$0x3FBA];
	_ =	sdelay $0x3  }
0x37: {  	[smem:$0x3FBA] =	sst s10  }
0x38: {  	s10 =	sld [smem:$0x3FBB]  }
0x39: {  	_ = 	snop;
	(pc) =	sbr.ind lr, $3  }
0x3a: {  	_ = 	snop  }
0x3b: {  	_ = 	snop  }
0x3c: {  	p2 =	seq.s32 s10, $0x1;
	s10 =	sld [smem:$0x3FBA]  }
0x3d: {  	_ =	shalt  }
0x3e: {  	_ =	shalt  }
0x3f: {  	_ =	shalt  }
0x40: {  	_ =	shalt  }
0x41: {  	_ =	shalt  }
0x42: {  	_ =	shalt  }
0x43: {  	_ =	shalt  }
0x44: {  	_ =	shalt  }
0x45: {  	_ =	shalt  }
0x46: {  	_ =	shalt  }
0x47: {  	_ =	shalt  }
0x48: {  	_ =	shalt  }
0x49: {  	_ =	shalt  }
0x4a: {  	_ =	shalt  }
0x4b: {  	_ =	shalt  }
0x4c: {  	_ =	shalt  }
0x4d: {  	_ =	shalt  }
0x4e: {  	_ =	shalt  }
0x4f: {  	_ =	shalt  }
0x50: {  	_ =	shalt  }
0x51: {  	_ =	shalt  }
0x52: {  	_ =	shalt  }
0x53: {  	_ =	shalt  }
0x54: {  	_ =	shalt  }
0x55: {  	_ =	shalt  }
0x56: {  	_ =	shalt  }
0x57: {  	_ =	shalt  }
0x58: {  	_ =	shalt  }
0x59: {  	_ =	shalt  }
0x5a: {  	_ =	shalt  }
0x5b: {  	_ =	shalt  }
0x5c: {  	_ =	shalt  }
0x5d: {  	_ =	shalt  }
0x5e: {  	_ =	shalt  }
0x5f: {  	_ =	shalt  }
0x60: {  	_ =	shalt  }
0x61: {  	_ =	shalt  }
0x62: {  	_ =	shalt  }
0x63: {  	_ =	shalt  }
0x64: {  	_ =	shalt  }
0x65: {  	_ =	shalt  }
0x66: {  	_ =	shalt  }
0x67: {  	_ =	shalt  }
0x68: {  	_ =	shalt  }
0x69: {  	_ =	shalt  }
0x6a: {  	_ =	shalt  }
0x6b: {  	_ =	shalt  }
0x6c: {  	_ =	shalt  }
0x6d: {  	_ =	shalt  }
0x6e: {  	_ =	shalt  }
0x6f: {  	_ =	shalt  }
0x70: {  	_ =	shalt  }
0x71: {  	_ =	shalt  }
0x72: {  	_ =	shalt  }
0x73: {  	_ =	shalt  }
0x74: {  	_ =	shalt  }
0x75: {  	_ =	shalt  }
0x76: {  	_ =	shalt  }
0x77: {  	_ =	shalt  }
0x78: {  	_ =	shalt  }
0x79: {  	_ =	shalt  }
0x7a: {  	_ =	shalt  }
0x7b: {  	_ =	shalt  }
0x7c: {  	_ =	shalt  }
0x7d: {  	_ =	shalt  }
0x7e: {  	_ =	shalt  }
0x7f: {  	_ =	shalt  }
0x80: {  	_ =	shalt  }
0x81: {  	_ =	shalt  }
0x82: {  	_ =	shalt  }
0x83: {  	_ =	shalt  }
0x84: {  	_ =	shalt  }
0x85: {  	_ =	shalt  }
0x86: {  	_ =	shalt  }
0x87: {  	_ =	shalt  }
.Lfunc_end0:
.L_simem_size_0:
called_computation_lowered:
.L_overlay_start_0:
0x88: {  	s0 =	sld [smem:$0x3FD9]  }
0x89: {  	s1 =	sld [smem:$0x3FFE];
	_ =	sdelay $0x3  }
0x8a: {  	s0 =	sadd.s32 s1, s0  }
0x8b: {  	[smem:$0x3FC6] =	sst s0  }
0x8c: {  	_ = 	snop  }
0x8d: {  	s0 =	sld [smem:$0x3FD0];
	(tm) =	ssettm $0x1  }
0x8e: {  	s16 =	sld [smem:$0x3FFB];
	_ =	sdelay $0x3  }
0x8f: {  	_ =	strace s16  }
0x90: {  	s1 =	sld [smem:$0x3FFC];
	_ =	sdelay $0x3  }
0x91: {  	_ =	strace s1  }
0x92: {  	s1 =	sld [smem:$0x3FFD];
	_ =	sdelay $0x3  }
0x93: {  	_ =	strace s1  }
0x94: {  	_ =	strace $0x8FFFFFFF  }
0x95: {  	s17 =	sld [smem:$0x3FDB];
	_ =	sdelay $0x1  }
0x96: {  	s2 =	simm.s32 $_scs_section_size  }
0x97: {  	s3 =	simm.s32 $_size__tile_overlayer_lowered;
	s4 =	simm.s32 $_tile_overlayer_lowered  }
0x98: {  	s20 =	simm.s32 $0x1BFF;
	s19 =	sshll.u32 s4, $0x1;
	s1 =	sadd.s32 s2, s17  }
0x99: {  	s5 =	simm.s32 $0x0;
	s18 =	sshll.u32 s3, $0x1;
	s3 =	sadd.s32 s19, s1  }
0x9a: {  	[timem:s5], [sflag:s20] =	dma.local [hbm:s3], s18  }
0x9b: {  	_ =	swait.ge [sflag:s20], s18  }
0x9c: {  	s2 =	ssub.s32 $0x0, s18;
	[sflag:s20] =	ssyncset.done $0x0  }
0x9d: {  	[sflag:s20] =	ssyncadd.s32 s2;
	_ =	sdelay $0x1  }
0x9e: {  	s21 =	simm.s32 $0x1B8B  }
0x9f: {  	_ =	swait.ge [sflag:s21], $0x1  }
0xa0: {  	[sflag:s21] =	ssyncset.done $0x0  }
0xa1: {  	s23 =	simm.s32 $0x1B8E;
	s22 =	sld [smem:$0x3FFE];
	[sflag:s21] =	ssyncadd.s32 $0xFFFFFFFF  }
0xa2: {  	s24 =	simm.s32 $execute0_lowered;
	[smem:$0x3FD2] =	sst s23  }
0xa3: {  	s3 =	sshll.u32 s24, $0x1;
	_ =	strace $0x80000046;
	[dreg:$0x1] =	wrdreg $0xFFFFFFFF  }
0xa4: {  	s25 =	simm.s32 $_size_execute0_lowered;
	s1 =	sadd.s32 s1, s3;
	[dreg:$0x0] =	wrdreg $0x0  }
0xa5: {  	s3 =	sshll.u32 s25, $0x1;
	[dreg:$0x2] =	wrdreg s1  }
0xa6: {  	[dreg:$0x3] =	wrdreg s3  }
0xa7: {  	[dreg:$0x4] =	wrdreg $0xC0  }
0xa8: {  	_ =	task [dreg:s5], $0x5FFFF  }
0xa9: {  	[dreg:$0x1] =	wrdreg $0xFFFFFFFF  }
0xaa: {  	[dreg:$0x0] =	wrdreg $0x60  }
0xab: {  	[dreg:$0x2] =	wrdreg s22  }
0xac: {  	[dreg:$0x3] =	wrdreg s0  }
0xad: {  	[dreg:$0x4] =	wrdreg $0x9  }
0xae: {  	_ =	task.clear_ibuf [dreg:s5], $0x5FFFF;
	_ =	strace $0x90000046  }
0xaf: {  	s26 =	simm.s32 $0x9;
	_ =	strace $0x80000048  }
0xb0: {  	_ =	swait.ge [sflag:s26], $0x1  }
0xb1: {  	[sflag:s26] =	ssyncadd.s32 $0xFFFFFFFF  }
0xb2: {  	_ =	strace $0x90000048  }
0xb3: {  	_ =	sfence  }
0xb4: {  	s28 =	sld [smem:$0x0];
	_ =	sdelay $0x1  }
0xb5: {  	s29 =	srdreg.scid  }
0xb6: {  	s30 =	sshll.u32 s29, $0xD;
	s31 =	sshrl.u32 s29, $0x2  }
0xb7: {  	s2 =	sand.u32 $0x4000, s30;
	s1 =	sand.u32 $0x1, s29;
	s0 =	sadd.s32 s31, s28  }
0xb8: {  	s1 =	sor.u32 s2, s1;
	s0 =	sshll.u32 s0, $0x11  }
0xb9: {  	s0 =	sor.u32 s0, s1  }
0xba: {  	s0 =	sadd.s32 $0x8F2B, s0  }
0xbb: {  	[sflag:s0] =	ssyncadd.remote.s32 $0x1  }
0xbc: {  	_ =	sfence.sel $0xFFFF  }
0xbd: {  	[dreg:$0x0] =	wrdreg $0xFFFFFFFF;
	(pc) =	sbr.abs _section_cstart, $3  }
0xbe: {  	[dreg:$0x1] =	wrdreg $0xFFFFFFFF  }
0xbf: {  	_ =	task.clear_ibuf [dreg:s5], $0x2FFFF;
	_ =	strace $0x9FFFFFFF  }
0xc0: {  	(tm) =	ssettm $0x7FFFFFFF  }
0xc1: {  	_ =	shalt  }
tec
execute0_lowered:
.L_overlay_start_1:
0x0: {  	(tag) =	ssettag $0x1  }
0x1: {  	s0 =	stileid.u32  }
0x2: {  	s1 =	smin.u32 s0, $0x9  }
0x3: {  	s1 =	sadd.s32 s0, s1  }
0x4: {  	s2 =	simm.s32 $0x190;
	p0 =	slt.u32 s0, $0x9;
	s1 =	smul.u32 $0xC8, s1  }
0x5: {  	s2 =	simm.s32 @!p0 $0xC8  }
0x6: {  	s2 =	sadd.s32 s2, s1  }
0x7: {  	s3 =	smin.u32 s2, $0x1388  }
0x8: {  	s7 =	ssub.s32 s3, s1  }
0x9: {  	p0 =	sgt.s32 s7, $0x0  }
0xa: {  	s7 =	simm.s32 @!p0 $0x0  }
0xb: {  	s31 =	sand.u32 $0xFFF8, s7  }
0xc: {  	s2 =	sshrl.u32 s31, $0x3  }
0xd: {  	s4 =	rddreg [dreg:$0x0];
	s2 =	smul.u32 $0x147B, s2  }
0xe: {  	s5 =	rddreg [dreg:$0x1]  }
0xf: {  	s6 =	simm.s32 $0x1;
	s10 =	simm.s32 $0x3;
	s8 =	sshrl.u32 s2, $0x11  }
0x10: {  	s13 =	simm.s32 $0x0;
	s12 =	simm.s32 $0x0;
	s9 =	smul.u32 $0xC8, s8  }
.Ltmp0:
0x11: {  	s11 =	smov.u32 s1;
	s2 =	rddreg [dreg:$0x2];
	(pc) =	sbr.rel .LBB2_1-.Ltmp0, $4  }
0x12: {  	_ =	strace $0x80000047;
	p0 =	sne.s32 s7, s9;
	s9 =	simm.s32 $0x1  }
0x13: {  	[sflag:s6] =	ssyncpa.u1 $0x0;
	s7 =	simm.s32 $0x2;
	s9 =	simm.s32 @!p0 $0x0  }
0x14: {  	[sflag:s7] =	ssyncpa.u1 $0x0;
	p0 =	por $0x0, $0x0;
	s8 =	sadd.s32 s8, s9  }
0x15: {  	vm0 =	vmmov $0xff;
	vm1 =	vcmask $0x3F20;
	s9 =	sadd.s32 $0x13A00, s4;
	[sflag:s10] =	ssyncpa.u1 $0x0;
	s10 =	sadd.s32 $0x1, s8  }
.LBB2_6:
0x16: {  	[hbm:s17] =	stream.linear.scatter [tilespmem:s14], [sflag:$0x3], $0x400, $0x38;
	[tilespmem:$0xC990] =	vst v63  }
.LBB2_7:
0x17: {  	s13 =	sadd.s32 $0xC8, s11  }
0x18: {  	s15 =	smov.u32 s1;
	p2 =	slt.s32 s13, s3  }
0x19: {  	s15 =	smov.u32 @p2 s13;
	p2 =	sne.s32 s12, s10  }
.Ltmp1:
0x1a: {  	p1 =	slt.u32 s12, $0x2;
	(pc) =	sbr.rel @!p2 .LBB2_8-.Ltmp1, $4  }
0x1b: {  	s14 =	simm.s32 @!p1 $0x3  }
0x1c: {  	s16 =	sadd.s32 $0x1, s12;
	_ =	swait.ge @!p1 [sflag:s14], $0x6400  }
0x1d: {  	p0 =	por !p0, !p0;
	s13 =	smov.u32 s11;
	[sflag:s14] =	ssyncset.done @!p1 $0x0  }
0x1e: {  	s12 =	smov.u32 s16;
	s11 =	smov.u32 s15;
	[sflag:s14] =	ssyncadd.s32 @!p1 $0xFFFF9C00  }
.LBB2_1:
0x1f: {  	p1 =	sge.u32 s12, s8  }
0x20: {  	s14 =	sxor.u32 @!p1 $0xFFFFFFFF, s12  }
0x21: {  	s14 =	sand.u32 @!p1 $0x1, s14  }
0x22: {  	s14 =	smul.u32 @!p1 $0x320, s14  }
0x23: {  	s31 =	sadd.s32 $0xFFFFFFFF, s12;
	s15 =	sshrl.u32 @!p1 s11, $0x3  }
0x24: {  	s16 =	sand.u32 @!p1 $0x7, s11;
	s15 =	sadd.s32 @!p1 s5, s15;
	s14 =	sshrl.u32 @!p1 s14, $0x2  }
0x25: {  	[tilespmem:s14], [sflag:$0x2] =	stream.linear.gather @!p1 [hbm4b:s15+s16], $0xC8, $0x38;
	[tilespmem:$0xC990] =	vst v63  }
0x26: {  	p1 =	sge.u32 s31, s8  }
.Ltmp2:
0x27: {  	_ = 	snop;
	(pc) =	sbr.rel @p1 .LBB2_7-.Ltmp2, $1  }
0x28: {  	_ =	sdelay $0x3  }
0x29: {  	s14 =	simm.s32 $0x1  }
0x2a: {  	s14 =	simm.s32 @!p0 $0x0  }
0x2b: {  	s15 =	smul.u32 $0x320, s14  }
0x2c: {  	_ =	swait.ge [sflag:s7], $0xC8  }
0x2d: {  	[sflag:s7] =	ssyncset.done $0x0;
	s16 =	sshrl.u32 s15, $0x2  }
0x2e: {  	[sflag:s7] =	ssyncadd.s32 $0xFFFFFF38;
	s15 =	sadd.s32 $0x0, s16  }
0x2f: {  	v0 =	vld.msk [tilespmem:s15+$0x0 ss:$0x1], $0xffff;
	_ =	sdelay $0x4  }
0x30: {  	vm2 =	vgt.s32 v0, $0x0  }
0x31: {  	v0 =	vnsel vm2, $0x0, v0  }
0x32: {  	v0 =	vmin.u32 v0, $0x1387  }
0x33: {  	v0 =	vshll.u32 v0, $0x4  }
0x34: {  	s14 =	smul.u32 $0x19000, s14  }
0x35: {  	s31 =	sand.u32 $0x1, s12  }
0x36: {  	s17 =	smul.u32 $0x320, s31;
	s14 =	sshrl.u32 s14, $0x2  }
0x37: {  	s19 =	smul.u32 $0x19000, s31;
	s14 =	sor.u32 $0x190, s14  }
0x38: {  	[tilespmem:s14], [sflag:$0x1] =	stream.indirect_vreg.gather [hbm:s4], $0x80, v0, vm0, $0x38;
	[tilespmem:$0xC990] =	vst v63  }
0x39: {  	s18 =	sshrl.u32 s17, $0x2;
	s20 =	sadd.s32 $0x10, s16;
	s15 =	sadd.s32 $0x400, s14  }
0x3a: {  	[tilespmem:s15], [sflag:$0x1] =	stream.indirect_vreg.gather [hbm:s4], $0x80, v0, vm1, $0x38;
	[tilespmem:$0xC990] =	vst v63  }
0x3b: {  	s17 =	sshrl.u32 s19, $0x2;
	s19 =	smov.u32 s14;
	v0 =	vld.msk [tilespmem:s20+$0x0 ss:$0x1], $0xffff;
	s20 =	simm.s32 $0x80  }
.LBB2_3:
0x3c: {  	p1 =	sne.s32 s20, $0x2C0;
	_ =	sdelay $0x4  }
0x3d: {  	vm2 =	vgt.s32 v0, $0x0  }
0x3e: {  	v0 =	vnsel vm2, $0x0, v0  }
0x3f: {  	v0 =	vmin.u32 v0, $0x1387  }
0x40: {  	v0 =	vshll.u32 v0, $0x4;
	_ =	sdelay $0x3  }
.Ltmp3:
0x41: {  	s21 =	sshra.s32 s20, $0x2;
	s19 =	sadd.s32 $0x800, s19;
	(pc) =	sbr.rel @p1 .LBB2_3-.Ltmp3, $4  }
0x42: {  	[tilespmem:s19], [sflag:$0x1] =	stream.indirect_vreg.gather [hbm:s4], $0x80, v0, vm0, $0x38;
	[tilespmem:$0xC990] =	vst v63  }
0x43: {  	s21 =	sadd.s32 s21, s16;
	s22 =	sadd.s32 $0x400, s19  }
0x44: {  	[tilespmem:s22], [sflag:$0x1] =	stream.indirect_vreg.gather [hbm:s4], $0x80, v0, vm1, $0x38;
	[tilespmem:$0xC990] =	vst v63  }
0x45: {  	s20 =	sadd.s32 $0x40, s20;
	v0 =	vld.msk [tilespmem:s21+$0x0 ss:$0x1], $0xffff  }
0x46: {  	_ =	sdelay $0x3  }
0x47: {  	vm2 =	vgt.s32 v0, $0x0  }
0x48: {  	v0 =	vnsel vm2, $0x0, v0  }
0x49: {  	v0 =	vmin.u32 v0, $0x1387  }
0x4a: {  	v0 =	vshll.u32 v0, $0x4;
	_ =	sdelay $0x3  }
0x4b: {  	s16 =	sadd.s32 $0x800, s19  }
0x4c: {  	[tilespmem:s16], [sflag:$0x1] =	stream.indirect_vreg.gather [hbm:s4], $0x80, v0, vm0, $0x38;
	[tilespmem:$0xC990] =	vst v63  }
0x4d: {  	s16 =	sadd.s32 $0x400, s16  }
0x4e: {  	[tilespmem:s16], [sflag:$0x1] =	stream.indirect_vreg.gather [hbm:s4], $0x80, v0, vm1, $0x38;
	[tilespmem:$0xC990] =	vst v63  }
0x4f: {  	v0 =	vld.msk [tilespmem:s18+$0xC0 ss:$0x1], $0xff;
	_ =	sdelay $0x4  }
0x50: {  	vm2 =	vgt.s32 v0, $0x0  }
0x51: {  	v0 =	vnsel vm2, $0x0, v0  }
0x52: {  	v0 =	vmin.u32 v0, $0x1387  }
0x53: {  	v0 =	vshll.u32 v0, $0x4;
	_ =	sdelay $0x3  }
0x54: {  	s31 =	sadd.s32 $0x6190, s17  }
0x55: {  	[tilespmem:s31], [sflag:$0x1] =	stream.indirect_vreg.gather [hbm:s4], $0x80, v0, vm0, $0x38;
	[tilespmem:$0xC990] =	vst v63  }
0x56: {  	s13 =	sshll.u32 s13, $0x4;
	_ =	swait.ge [sflag:s6], $0x6400  }
0x57: {  	s13 =	sadd.s32 s13, s9;
	[sflag:s6] =	ssyncset.done $0x0  }
0x58: {  	s17 =	sadd.s32 $0x0, s13;
	s16 =	simm.s32 $0x80;
	[sflag:s6] =	ssyncadd.s32 $0xFFFF9C00  }
.LBB2_5:
0x59: {  	[hbm:s17] =	stream.linear.scatter [tilespmem:s14], [sflag:$0x3], $0x400, $0x38;
	[tilespmem:$0xC990] =	vst v63  }
0x5a: {  	s17 =	smov.u32 s16;
	s14 =	smov.u32 s15;
	p1 =	sne.s32 s16, $0xC00  }
.Ltmp4:
0x5b: {  	s16 =	sadd.s32 $0x80, s16;
	(pc) =	sbr.rel @p1 .LBB2_5-.Ltmp4, $2  }
0x5c: {  	_ =	sdelay $0x2  }
0x5d: {  	s15 =	sadd.s32 $0x400, s15;
	s17 =	sadd.s32 s17, s13  }
.Ltmp5:
0x5e: {  	_ = 	snop;
	(pc) =	sbr.rel .LBB2_6-.Ltmp5, $1  }
0x5f: {  	_ =	sdelay $0x3  }
.LBB2_8:
0x60: {  	_ =	sfence.sel $0x180000  }
0x61: {  	s1 =	simm.s32 $0x2;
	[bflag:$0x0] =	sbarrier.arrive $0xFFFF  }
0x62: {  	s30 =	simm.s32 $0x3;
	[sflag:s1] =	ssyncpa.u1 $0x1  }
0x63: {  	s31 =	simm.s32 $0x1;
	[sflag:s30] =	ssyncpa.u1 $0x1  }
0x64: {  	[sflag:s31] =	ssyncpa.u1 $0x1  }
0x65: {  	p0 =	sne.s32 s0, $0x0;
	_ =	strace $0x90000047  }
0x66: {  	s0 =	sadd.s32 @!p0 $0x100000, s2;
	[bflag:$0x2] =	sbarrier.arrive $0xFFFF  }
0x67: {  	[sflag:s0] =	ssyncadd.tile.s32 @!p0 $0x1;
	_ =	shalt  }
.Lfunc_end2:
_tile_overlayer_lowered:
.L_overlay_start_2:
0x68: {  	(tag) =	ssettag $0x2  }
0x69: {  	s0 =	rddreg [dreg:$0x0];
	s2 =	stileid.u32  }
0x6a: {  	s1 =	rddreg [dreg:$0x1];
	p0 =	sne.s32 s2, $0x0  }
0x6b: {  	s3 =	rddreg [dreg:$0x2];
	[bflag:$0x3] =	sbarrier.arrive $0xFFFF;
	s2 =	simm.s32 @!p0 $0x1C01  }
0x6c: {  	[timem:s3], [sflag:s2] =	dma.local @!p0 [hbm:s0], s1  }
0x6d: {  	s0 =	simm.s32 @!p0 $0x1  }
0x6e: {  	_ =	swait.ge @!p0 [sflag:s0], s1  }
0x6f: {  	s1 =	ssub.s32 @!p0 $0x0, s1;
	[sflag:s0] =	ssyncset.done @!p0 $0x0  }
0x70: {  	[sflag:s0] =	ssyncadd.s32 @!p0 s1  }
0x71: {  	[bflag:$0x3] =	sbarrier.arrive $0xFFFF  }
0x72: {  	_ =	shalt  }

// kernel: kernel.4.cloned.1.call-start
scs
__scs_entry_jumppad:
0x0: {  	(pc) =	sbr.rel $0x88, $3  }
0x1: {  	(tag) =	ssettag $0x0;
	lr =	simm.s32 $0x1  }
0x2: {  	[smem:$0x3F9F] =	sst lr;
	_ =	strace $0xD0000000  }
0x3: {  	_ = 	snop  }
0x4: {  	_ = 	snop  }
0x5: {  	_ = 	snop  }
0x6: {  	_ = 	snop  }
0x7: {  	_ = 	snop  }
__scs_overlays_trampoline_lowered:
0x8: {  	[smem:$0x3FAE] =	sst s0  }
0x9: {  	[smem:$0x3FAF] =	sst s1  }
0xa: {  	[smem:$0x3FB0] =	sst s2  }
0xb: {  	[smem:$0x3FB1] =	sst s3  }
0xc: {  	[smem:$0x3FB2] =	sst s4  }
0xd: {  	[smem:$0x3FB3] =	sst s5  }
0xe: {  	[smem:$0x3FB4] =	sst s6  }
0xf: {  	[smem:$0x3FB5] =	sst s7  }
0x10: {  	[smem:$0x3FB6] =	sst s8  }
0x11: {  	[smem:$0x3FB7] =	sst s9;
	s0 =	simm.s32 @!p0 $0x0  }
0x12: {  	s1 =	sld [smem:$0x3F9D];
	s0 =	simm.s32 @p0 $0x1  }
0x13: {  	[smem:$0x3FB8] =	sst s0;
	s0 =	simm.s32 @!p1 $0x0  }
0x14: {  	s2 =	sld [smem:$0x3F9C];
	s0 =	simm.s32 @p1 $0x1  }
0x15: {  	[smem:$0x3FB9] =	sst s0;
	s0 =	simm.s32 @!p2 $0x0  }
0x16: {  	s3 =	sld [smem:$0x3FDB];
	s0 =	simm.s32 @p2 $0x1  }
0x17: {  	s4 =	simm.s32 $0x1BF5;
	[smem:$0x3FBB] =	sst s0  }
0x18: {  	s0 =	sld [smem:$0x3F9E];
	_ =	swait.ge [sflag:s4], $0x0  }
0x19: {  	s7 =	sld [smem:$0x3F9F]  }
0x1a: {  	s8 =	sadd.s32 $0xFFFFE003, lr  }
0x1b: {  	s9 =	sadd.s32 $0xFFFFFEF7, lr;
	s5 =	simm.s32 $0xFFFFFFFF;
	p2 =	slt.u32 s8, $0xFFFFF086  }
0x1c: {  	p1 =	slt.u32 s9, $0xF7A;
	s5 =	simm.s32 @!p2 $0x0  }
0x1d: {  	s5 =	simm.s32 @p1 $0x1;
	p0 =	seq.s32 s7, s2  }
0x1e: {  	s7 =	smul.u32 @!p0 $0xF7A, s2;
	p2 =	seq.s32 @!p0 s5, $0x0  }
0x1f: {  	s9 =	smul.u32 $0xF7A, s1;
	s8 =	simm.s32 @!p0 $0x1BF5;
	p2 =	por !p2, p0  }
0x20: {  	[sflag:s8] =	ssyncset.s32 @!p0 $0xFFFFF086;
	s6 =	sadd.s32 @!p0 s3, s7;
	s7 =	simm.s32 @!p0 $0x108  }
0x21: {  	s3 =	sadd.s32 s3, s9;
	s6 =	sadd.s32 @!p0 $0x88, s6;
	s7 =	simm.s32 @p2 $0x1082  }
0x22: {  	[simem:s7], [sflag:s8] =	dma.local @!p0 [hbm:s6], $0xF7A  }
0x23: {  	s9 =	sor.u32 $0xD0000000, s2;
	s6 =	simm.s32 $0x108;
	_ =	swait.ge @!p0 [sflag:s8], $0x0  }
0x24: {  	s3 =	sadd.s32 $0x88, s3;
	s6 =	simm.s32 @!p1 $0x1082;
	[sflag:s4] =	ssyncset.s32 $0xFFFFF086  }
0x25: {  	[simem:s6], [sflag:s4] =	dma.local [hbm:s3], $0xF7A  }
0x26: {  	[smem:$0x3F9F] =	sst s1;
	(tag) =	ssettag s2;
	_ =	strace s9  }
0x27: {  	s1 =	sld [smem:$0x3FAF]  }
0x28: {  	s2 =	sld [smem:$0x3FB0]  }
0x29: {  	s4 =	sld [smem:$0x3FB2]  }
0x2a: {  	p0 =	seq.s32 s5, $0x0;
	s5 =	sld [smem:$0x3FB3]  }
0x2b: {  	s6 =	sld [smem:$0x3FB4]  }
0x2c: {  	s7 =	sld [smem:$0x3FB5]  }
0x2d: {  	s3 =	simm.s32 $0x108;
	s8 =	sld [smem:$0x3FB6]  }
0x2e: {  	s3 =	simm.s32 @!p0 $0x1082;
	s9 =	sld [smem:$0x3FB7]  }
0x2f: {  	lr =	sadd.s32 s0, s3;
	s0 =	sld [smem:$0x3FAE]  }
0x30: {  	s3 =	sld [smem:$0x3FB1]  }
0x31: {  	[smem:$0x3FBA] =	sst s10  }
0x32: {  	s10 =	sld [smem:$0x3FB8];
	_ =	sdelay $0x3  }
0x33: {  	p0 =	seq.s32 s10, $0x1;
	s10 =	sld [smem:$0x3FBA];
	_ =	sdelay $0x3  }
0x34: {  	[smem:$0x3FBA] =	sst s10  }
0x35: {  	s10 =	sld [smem:$0x3FB9];
	_ =	sdelay $0x3  }
0x36: {  	p1 =	seq.s32 s10, $0x1;
	s10 =	sld [smem:$0x3FBA];
	_ =	sdelay $0x3  }
0x37: {  	[smem:$0x3FBA] =	sst s10  }
0x38: {  	s10 =	sld [smem:$0x3FBB]  }
0x39: {  	_ = 	snop;
	(pc) =	sbr.ind lr, $3  }
0x3a: {  	_ = 	snop  }
0x3b: {  	_ = 	snop  }
0x3c: {  	p2 =	seq.s32 s10, $0x1;
	s10 =	sld [smem:$0x3FBA]  }
0x3d: {  	_ =	shalt  }
0x3e: {  	_ =	shalt  }
0x3f: {  	_ =	shalt  }
0x40: {  	_ =	shalt  }
0x41: {  	_ =	shalt  }
0x42: {  	_ =	shalt  }
0x43: {  	_ =	shalt  }
0x44: {  	_ =	shalt  }
0x45: {  	_ =	shalt  }
0x46: {  	_ =	shalt  }
0x47: {  	_ =	shalt  }
0x48: {  	_ =	shalt  }
0x49: {  	_ =	shalt  }
0x4a: {  	_ =	shalt  }
0x4b: {  	_ =	shalt  }
0x4c: {  	_ =	shalt  }
0x4d: {  	_ =	shalt  }
0x4e: {  	_ =	shalt  }
0x4f: {  	_ =	shalt  }
0x50: {  	_ =	shalt  }
0x51: {  	_ =	shalt  }
0x52: {  	_ =	shalt  }
0x53: {  	_ =	shalt  }
0x54: {  	_ =	shalt  }
0x55: {  	_ =	shalt  }
0x56: {  	_ =	shalt  }
0x57: {  	_ =	shalt  }
0x58: {  	_ =	shalt  }
0x59: {  	_ =	shalt  }
0x5a: {  	_ =	shalt  }
0x5b: {  	_ =	shalt  }
0x5c: {  	_ =	shalt  }
0x5d: {  	_ =	shalt  }
0x5e: {  	_ =	shalt  }
0x5f: {  	_ =	shalt  }
0x60: {  	_ =	shalt  }
0x61: {  	_ =	shalt  }
0x62: {  	_ =	shalt  }
0x63: {  	_ =	shalt  }
0x64: {  	_ =	shalt  }
0x65: {  	_ =	shalt  }
0x66: {  	_ =	shalt  }
0x67: {  	_ =	shalt  }
0x68: {  	_ =	shalt  }
0x69: {  	_ =	shalt  }
0x6a: {  	_ =	shalt  }
0x6b: {  	_ =	shalt  }
0x6c: {  	_ =	shalt  }
0x6d: {  	_ =	shalt  }
0x6e: {  	_ =	shalt  }
0x6f: {  	_ =	shalt  }
0x70: {  	_ =	shalt  }
0x71: {  	_ =	shalt  }
0x72: {  	_ =	shalt  }
0x73: {  	_ =	shalt  }
0x74: {  	_ =	shalt  }
0x75: {  	_ =	shalt  }
0x76: {  	_ =	shalt  }
0x77: {  	_ =	shalt  }
0x78: {  	_ =	shalt  }
0x79: {  	_ =	shalt  }
0x7a: {  	_ =	shalt  }
0x7b: {  	_ =	shalt  }
0x7c: {  	_ =	shalt  }
0x7d: {  	_ =	shalt  }
0x7e: {  	_ =	shalt  }
0x7f: {  	_ =	shalt  }
0x80: {  	_ =	shalt  }
0x81: {  	_ =	shalt  }
0x82: {  	_ =	shalt  }
0x83: {  	_ =	shalt  }
0x84: {  	_ =	shalt  }
0x85: {  	_ =	shalt  }
0x86: {  	_ =	shalt  }
0x87: {  	_ =	shalt  }
.Lfunc_end0:
.L_simem_size_0:
called_computation.1_lowered:
.L_overlay_start_0:
0x88: {  	s2 =	sld [smem:$0x3FD9]  }
0x89: {  	s3 =	sld [smem:$0x3FFE];
	_ =	sdelay $0x1  }
0x8a: {  	s1 =	srdreg.scid  }
0x8b: {  	s0 =	sand.u32 $0x1, s1  }
0x8c: {  	s17 =	sshll.u32 s0, $0xA;
	s2 =	sadd.s32 s3, s2  }
0x8d: {  	s2 =	sadd.s32 s2, s17  }
0x8e: {  	[smem:$0x3FC6] =	sst s2  }
0x8f: {  	_ = 	snop  }
0x90: {  	s2 =	sld [smem:$0x3FD0];
	(tm) =	ssettm $0x1  }
0x91: {  	s18 =	sld [smem:$0x3FFB];
	_ =	sdelay $0x3  }
0x92: {  	_ =	strace s18  }
0x93: {  	s3 =	sld [smem:$0x3FFC];
	_ =	sdelay $0x3  }
0x94: {  	_ =	strace s3  }
0x95: {  	s3 =	sld [smem:$0x3FFD];
	_ =	sdelay $0x3  }
0x96: {  	_ =	strace s3  }
0x97: {  	_ =	strace $0x8FFFFFFF  }
0x98: {  	s19 =	sld [smem:$0x3FDB];
	_ =	sdelay $0x1  }
0x99: {  	s4 =	simm.s32 $_scs_section_size  }
0x9a: {  	s5 =	simm.s32 $_size__tile_overlayer_lowered;
	s6 =	simm.s32 $_tile_overlayer_lowered  }
0x9b: {  	s22 =	simm.s32 $0x1BFF;
	s21 =	sshll.u32 s6, $0x1;
	s3 =	sadd.s32 s4, s19  }
0x9c: {  	s7 =	simm.s32 $0x0;
	s20 =	sshll.u32 s5, $0x1;
	s5 =	sadd.s32 s21, s3  }
0x9d: {  	[timem:s7], [sflag:s22] =	dma.local [hbm:s5], s20  }
0x9e: {  	_ =	swait.ge [sflag:s22], s20  }
0x9f: {  	s4 =	ssub.s32 $0x0, s20;
	[sflag:s22] =	ssyncset.done $0x0  }
0xa0: {  	[sflag:s22] =	ssyncadd.s32 s4;
	_ =	sdelay $0x1  }
0xa1: {  	s23 =	simm.s32 $0x1B8B  }
0xa2: {  	_ =	swait.ge [sflag:s23], $0x1  }
0xa3: {  	[sflag:s23] =	ssyncset.done $0x0  }
0xa4: {  	s25 =	simm.s32 $0x1B8E;
	s24 =	sld [smem:$0x3FFE];
	[sflag:s23] =	ssyncadd.s32 $0xFFFFFFFF  }
0xa5: {  	s26 =	simm.s32 $execute0_lowered;
	[smem:$0x3FD2] =	sst s25  }
0xa6: {  	s5 =	sshll.u32 s26, $0x1;
	_ =	strace $0x80000049;
	[dreg:$0x1] =	wrdreg $0xFFFFFFFF  }
0xa7: {  	s28 =	simm.s32 $_size_execute0_lowered;
	s3 =	sadd.s32 s3, s5;
	[dreg:$0x0] =	wrdreg $0x0  }
0xa8: {  	s5 =	sshll.u32 s28, $0x1;
	[dreg:$0x2] =	wrdreg s3  }
0xa9: {  	[dreg:$0x3] =	wrdreg s5  }
0xaa: {  	[dreg:$0x4] =	wrdreg $0xC0  }
0xab: {  	_ =	task [dreg:s7], $0x5FFFF  }
0xac: {  	[dreg:$0x1] =	wrdreg $0xFFFFFFFF  }
0xad: {  	[dreg:$0x0] =	wrdreg $0x60  }
0xae: {  	[dreg:$0x2] =	wrdreg s2  }
0xaf: {  	[dreg:$0x3] =	wrdreg s24  }
0xb0: {  	[dreg:$0x4] =	wrdreg $0x9  }
0xb1: {  	_ =	task.clear_ibuf [dreg:s7], $0x5FFFF;
	_ =	strace $0x90000049  }
0xb2: {  	s29 =	simm.s32 $0x9;
	_ =	strace $0x8000004B  }
0xb3: {  	_ =	swait.ge [sflag:s29], $0x1  }
0xb4: {  	[sflag:s29] =	ssyncadd.s32 $0xFFFFFFFF  }
0xb5: {  	_ =	strace $0x9000004B  }
0xb6: {  	_ =	sfence  }
0xb7: {  	s30 =	sld [smem:$0x0];
	_ =	sdelay $0x2  }
0xb8: {  	s31 =	sshll.u32 s1, $0xD;
	s1 =	sshrl.u32 s1, $0x2  }
0xb9: {  	s3 =	sand.u32 $0x4000, s31;
	s1 =	sadd.s32 s1, s30  }
0xba: {  	s0 =	sor.u32 s3, s0;
	s1 =	sshll.u32 s1, $0x11  }
0xbb: {  	s0 =	sor.u32 s1, s0  }
0xbc: {  	s0 =	sadd.s32 $0x8F2B, s0  }
0xbd: {  	[sflag:s0] =	ssyncadd.remote.s32 $0x1  }
0xbe: {  	_ =	sfence.sel $0xFFFF  }
0xbf: {  	[dreg:$0x0] =	wrdreg $0xFFFFFFFF;
	(pc) =	sbr.abs _section_cstart, $3  }
0xc0: {  	[dreg:$0x1] =	wrdreg $0xFFFFFFFF  }
0xc1: {  	_ =	task.clear_ibuf [dreg:s7], $0x2FFFF;
	_ =	strace $0x9FFFFFFF  }
0xc2: {  	(tm) =	ssettm $0x7FFFFFFF  }
0xc3: {  	_ =	shalt  }
tec
execute0_lowered:
.L_overlay_start_1:
0x0: {  	(tag) =	ssettag $0x1  }
0x1: {  	s1 =	srdreg.scid;
	s0 =	stileid.u32  }
0x2: {  	s8 =	sand.u32 $0x1, s1;
	s31 =	sshll.u32 s0, $0x1  }
0x3: {  	s1 =	sor.u32 s8, s31  }
0x4: {  	s6 =	rddreg [dreg:$0x0];
	s7 =	smul.u32 $0x14, s1  }
0x5: {  	s2 =	rddreg [dreg:$0x1];
	s3 =	simm.s32 $0x0  }
0x6: {  	s5 =	simm.s32 $0x100;
	[smem:$0x7FF] =	sst s3;
	s4 =	sadd.s32 s7, s2  }
0x7: {  	s1 =	rddreg [dreg:$0x2];
	_ =	strace $0x8000004A;
	s4 =	sadd.s32 $0x27400, s4  }
0x8: {  	[tilespmem:s5], [sflag:$0x2] =	stream.linear.gather [hbm4b:s4+s3], $0xA0, $0x38;
	[tilespmem:$0x200] =	vst v63  }
0x9: {  	s9 =	ssub.s32 $0x2, s8;
	s6 =	sadd.s32 s6, s7;
	s7 =	simm.s32 $0x2  }
0xa: {  	[tilespmem:s3], [sflag:$0x1] =	stream.linear.gather [hbm4b:s6+s3], $0xA0, $0x38;
	[tilespmem:$0x200] =	vst v63  }
0xb: {  	s10 =	sshrl.u32 s9, $0x1;
	_ =	swait.ge [sflag:s7], $0xA0  }
0xc: {  	s9 =	ssub.s32 s9, s10;
	[sflag:s7] =	ssyncset.done $0x0  }
0xd: {  	s8 =	simm.s32 $0x1;
	s10 =	smax.u32 s9, $0x1;
	[sflag:s7] =	ssyncadd.s32 $0xFFFFFF60  }
0xe: {  	p0 =	sne.s32 s10, $0x1;
	_ =	swait.ge [sflag:s8], $0xA0  }
.Ltmp0:
0xf: {  	[sflag:s8] =	ssyncset.done $0x0;
	(pc) =	sbr.rel @!p0 .LBB2_2-.Ltmp0, $4  }
0x10: {  	s9 =	simm.s32 $0xA0;
	[sflag:s8] =	ssyncadd.s32 $0xFFFFFF60  }
0x11: {  	[hbm4b:s2+s9] =	stream.indirect.scatter [tilespmem:s3], [sflag:$0x1], $0x1, s5, s9, $0xb8;
	[tilespmem:$0x200] =	vst v63  }
0x12: {  	_ =	swait.ge [sflag:s8], $0xA0  }
0x13: {  	s10 =	sadd.s32 $0xFFFFFFFF, s10;
	[sflag:s8] =	ssyncset.done $0x0  }
.LBB2_1:
0x14: {  	p0 =	sne.s32 s10, $0x1;
	s10 =	sadd.s32 $0xFFFFFFFF, s10;
	[sflag:s8] =	ssyncadd.s32 $0xFFFFFF60  }
0x15: {  	[tilespmem:s5], [sflag:$0x2] =	stream.linear.gather [hbm4b:s4+s3], $0xA0, $0x38;
	[tilespmem:$0x200] =	vst v63  }
0x16: {  	_ = 	snop  }
0x17: {  	[tilespmem:s3], [sflag:$0x1] =	stream.linear.gather [hbm4b:s6+s3], $0xA0, $0x38;
	[tilespmem:$0x200] =	vst v63  }
0x18: {  	_ =	swait.ge [sflag:s7], $0xA0  }
0x19: {  	[sflag:s7] =	ssyncset.done $0x0  }
0x1a: {  	[sflag:s7] =	ssyncadd.s32 $0xFFFFFF60  }
0x1b: {  	_ =	swait.ge [sflag:s8], $0xA0  }
.Ltmp1:
0x1c: {  	[sflag:s8] =	ssyncset.done $0x0;
	(pc) =	sbr.rel @p0 .LBB2_1-.Ltmp1, $4  }
0x1d: {  	[sflag:s8] =	ssyncadd.s32 $0xFFFFFF60  }
0x1e: {  	[hbm4b:s2+s9] =	stream.indirect.scatter [tilespmem:s3], [sflag:$0x1], $0x1, s5, s9, $0xb8;
	[tilespmem:$0x200] =	vst v63  }
0x1f: {  	_ =	swait.ge [sflag:s8], $0xA0  }
0x20: {  	[sflag:s8] =	ssyncset.done $0x0  }
.LBB2_2:
0x21: {  	[sflag:s8] =	ssyncadd.s32 $0xFFFFFF60  }
0x22: {  	_ =	sfence.sel $0x180000  }
0x23: {  	[bflag:$0x0] =	sbarrier.arrive $0xFFFF  }
0x24: {  	p0 =	sne.s32 s0, $0x0;
	_ =	strace $0x9000004A  }
0x25: {  	s0 =	sadd.s32 @!p0 $0x100000, s1;
	[bflag:$0x2] =	sbarrier.arrive $0xFFFF  }
0x26: {  	[sflag:s0] =	ssyncadd.tile.s32 @!p0 $0x1;
	_ =	shalt  }
.Lfunc_end2:
_tile_overlayer_lowered:
.L_overlay_start_2:
0x27: {  	(tag) =	ssettag $0x2  }
0x28: {  	s0 =	rddreg [dreg:$0x0];
	s2 =	stileid.u32  }
0x29: {  	s1 =	rddreg [dreg:$0x1];
	p0 =	sne.s32 s2, $0x0  }
0x2a: {  	s3 =	rddreg [dreg:$0x2];
	[bflag:$0x3] =	sbarrier.arrive $0xFFFF;
	s2 =	simm.s32 @!p0 $0x1C03  }
0x2b: {  	[timem:s3], [sflag:s2] =	dma.local @!p0 [hbm:s0], s1  }
0x2c: {  	s0 =	simm.s32 @!p0 $0x3  }
0x2d: {  	_ =	swait.ge @!p0 [sflag:s0], s1  }
0x2e: {  	s1 =	ssub.s32 @!p0 $0x0, s1;
	[sflag:s0] =	ssyncset.done @!p0 $0x0  }
0x2f: {  	[sflag:s0] =	ssyncadd.s32 @!p0 s1  }
0x30: {  	[bflag:$0x3] =	sbarrier.arrive $0xFFFF  }
0x31: {  	_ =	shalt  }

</sc_bundles>
